<compile_context>
chip_gen: v7x
topology: tpu7x:2x2x1
jax: 0.10.2.dev20260603
libtpu: 0.0.44.dev20260713+nightly
codegen_flags: <defaults>
</compile_context>

<pallas_src>
import jax
import jax.numpy as jnp
from jax import lax
from jax.experimental import pallas as pl
from jax.experimental.pallas import tpu as pltpu
from jax.experimental.pallas import tpu_sc as plsc

_D = 64
_B = 4096
_L = 200
_NC = 2
_NS = 16
_NW = _NC * _NS
_PER_W = _B // _NW
_IDX_MINOR = 100
_CHUNKS = _L // _IDX_MINOR


def _tec_body(idx_hbm, table_hbm, out_hbm, idx_v, rows, tbuf, gsem):
    wid = lax.axis_index("s") * _NC + lax.axis_index("c")
    b0 = wid * _PER_W

    pltpu.sync_copy(idx_hbm.at[pl.ds(b0 * _CHUNKS, _PER_W * _CHUNKS)], idx_v)

    iota = lax.iota(jnp.int32, 16)
    colbase = [(jnp.int32(g * 16) + iota) * jnp.int32(_L) for g in range(_D // 16)]

    @pl.loop(0, _PER_W)
    def _iter(i):
        c0 = pltpu.async_copy(
            table_hbm.at[idx_v.at[_CHUNKS * i]],
            rows.at[pl.ds(0, _IDX_MINOR)], gsem)
        c1 = pltpu.async_copy(
            table_hbm.at[idx_v.at[_CHUNKS * i + 1]],
            rows.at[pl.ds(_IDX_MINOR, _IDX_MINOR)], gsem)
        c0.wait()
        c1.wait()

        @pl.loop(0, _L, unroll=4)
        def _l(l):
            for g in range(_D // 16):
                v = rows[l, pl.ds(g * 16, 16)]
                plsc.store_scatter(tbuf, [colbase[g] + l], v)

        pltpu.sync_copy(tbuf, out_hbm.at[b0 + i])


def kernel(input_tensor, table):
    idx = input_tensor.astype(jnp.int32).reshape(_B * _L // _IDX_MINOR, _IDX_MINOR)
    mesh = plsc.VectorSubcoreMesh(core_axis_name="c", subcore_axis_name="s")
    run = pl.kernel(
        _tec_body,
        out_type=jax.ShapeDtypeStruct((_B, _D * _L), jnp.float32),
        mesh=mesh,
        compiler_params=pltpu.CompilerParams(needs_layout_passes=False,
                                             use_tc_tiling_on_sc=False),
        scratch_types=[
            pltpu.VMEM((_PER_W * _CHUNKS, _IDX_MINOR), jnp.int32),
            pltpu.VMEM((_L, _D), jnp.float32),
            pltpu.VMEM((_D * _L,), jnp.float32),
            pltpu.SemaphoreType.DMA,
        ],
    )
    out = run(idx, table)
    return out.reshape(_B, _D, _L)

# --- scband reference (transcript-rebuilt; emitter-appended) ---
"""Pipeline reference for scband-dummy-embedding-56289841381489 (READ-ONLY COPY).

The authoritative reference and input builder live on the scoring server;
editing this copy changes nothing except your own understanding.
"""

import jax, jax.numpy as jnp
import numpy as np

NUM_EMBEDDING = 1000000
EMBEDDING_DIM = 64
BATCH = 4096
SEQ = 200

def setup_inputs(seed: int = 0) -> dict:
    key = jax.random.key(seed)
    k_idx, k_tab = jax.random.split(key)
    input_tensor = jax.random.randint(k_idx, (BATCH, SEQ), 0, NUM_EMBEDDING, dtype=jnp.int64 if jax.config.jax_enable_x64 else jnp.int32)
    table = jax.random.normal(k_tab, (NUM_EMBEDDING, EMBEDDING_DIM), dtype=jnp.float32)
    # padding_idx=0: torch initializes the padding row to zeros
    table = table.at[0].set(0.0)
    return {"input_tensor": input_tensor, "table": table}

def reference(input_tensor, table):
    # Embedding lookup with padding_idx=0 (row 0 is the zero padding vector)
    out = jnp.take(table, input_tensor, axis=0)  # (B, L, H)
    out = jnp.transpose(out, (0, 2, 1))          # (B, H, L)
    return out

if __name__ == "__main__":
    import jax
    _d = setup_inputs()
    print(jax.jit(kernel)(*tuple(_d.values())))

</pallas_src>

<mosaic_0001>
#map = affine_map<(d0, d1) -> (0, 0)>
module attributes {stable_mosaic.version = 14 : i64} {
  func.func @_tec_body(%arg0: i32, %arg1: i32, %arg2: memref<8192x100xi32, #tpu.memory_space<hbm>>, %arg3: memref<1000000x64xf32, #tpu.memory_space<hbm>>, %arg4: memref<4096x12800xf32, #tpu.memory_space<hbm>>, %arg5: memref<256x100xi32, #tpu.memory_space<vmem>>, %arg6: memref<200x64xf32, #tpu.memory_space<vmem>>, %arg7: memref<12800xf32, #tpu.memory_space<vmem>>, %arg8: memref<!tpu.dma_semaphore, #tpu.memory_space<semaphore_mem>>) attributes {dimension_semantics = [#tpu.dimension_semantics<core_parallel>, #tpu.dimension_semantics<subcore_parallel>], iteration_bounds = array<i64: 2, 16>, scalar_prefetch = 0 : i64, scratch_operands = 4 : i64, tpu.core_type = #tpu.core_type<sc_vector_subcore>, window_params = [{transform_indices = #map}, {transform_indices = #map}, {transform_indices = #map}]} {
    %mul3A = arith.constant 2 : i32
    %mul3A_0 = arith.muli %arg1, %mul3A : i32
    %add3A = arith.addi %mul3A_0, %arg0 : i32
    %mul3A_1 = arith.constant 128 : i32
    %mul3A_2 = arith.muli %add3A, %mul3A_1 : i32
    %mul3A_3 = arith.constant 2 : i32
    %mul3A_4 = arith.muli %mul3A_2, %mul3A_3 : i32
    "tpu.region"() ({
      %run_scoped3A = tpu.sem_alloc : memref<!tpu.dma_semaphore, #tpu.memory_space<semaphore_mem>>
      %dma_start3A = arith.constant 0 : i32
      %dma_start3A_33 = tpu.memref_slice %arg2[%mul3A_4, %dma_start3A] : memref<8192x100xi32, #tpu.memory_space<hbm>> -> memref<256x100xi32, #tpu.memory_space<hbm>>
      %dma_start3A_34 = arith.constant 0 : i32
      %dma_start3A_35 = tpu.memref_slice %arg2[%mul3A_4, %dma_start3A_34] : memref<8192x100xi32, #tpu.memory_space<hbm>> -> memref<256x100xi32, #tpu.memory_space<hbm>>
      tpu.enqueue_dma source(%dma_start3A_35 : memref<256x100xi32, #tpu.memory_space<hbm>>) target(%arg5 : memref<256x100xi32, #tpu.memory_space<vmem>>) target_semaphore(%run_scoped3A : memref<!tpu.dma_semaphore, #tpu.memory_space<semaphore_mem>>)
      %dma_wait3A = arith.constant 0 : i32
      %dma_wait3A_36 = tpu.memref_slice %arg2[%mul3A_4, %dma_wait3A] : memref<8192x100xi32, #tpu.memory_space<hbm>> -> memref<256x100xi32, #tpu.memory_space<hbm>>
      %dma_wait3A_37 = arith.constant 0 : i32
      %dma_wait3A_38 = tpu.memref_slice %arg2[%mul3A_4, %dma_wait3A_37] : memref<8192x100xi32, #tpu.memory_space<hbm>> -> memref<256x100xi32, #tpu.memory_space<hbm>>
      tpu.wait_dma2 semaphore(%run_scoped3A : memref<!tpu.dma_semaphore, #tpu.memory_space<semaphore_mem>>) src(%dma_wait3A_38 : memref<256x100xi32, #tpu.memory_space<hbm>>) dst(%arg5 : memref<256x100xi32, #tpu.memory_space<vmem>>)
      tpu.yield
    }) : () -> ()
    %iota3A = tpu.iota {dimensions = array<i32: 0>} : vector<16xi32>
    %add3A_5 = arith.constant 0 : i32
    %add3A_6 = vector.broadcast %add3A_5 : i32 to vector<16xi32>
    %add3A_7 = arith.addi %add3A_6, %iota3A : vector<16xi32>
    %mul3A_8 = arith.constant 200 : i32
    %mul3A_9 = vector.broadcast %mul3A_8 : i32 to vector<16xi32>
    %mul3A_10 = arith.muli %add3A_7, %mul3A_9 : vector<16xi32>
    %add3A_11 = arith.constant 16 : i32
    %add3A_12 = vector.broadcast %add3A_11 : i32 to vector<16xi32>
    %add3A_13 = arith.addi %add3A_12, %iota3A : vector<16xi32>
    %mul3A_14 = arith.constant 200 : i32
    %mul3A_15 = vector.broadcast %mul3A_14 : i32 to vector<16xi32>
    %mul3A_16 = arith.muli %add3A_13, %mul3A_15 : vector<16xi32>
    %add3A_17 = arith.constant 32 : i32
    %add3A_18 = vector.broadcast %add3A_17 : i32 to vector<16xi32>
    %add3A_19 = arith.addi %add3A_18, %iota3A : vector<16xi32>
    %mul3A_20 = arith.constant 200 : i32
    %mul3A_21 = vector.broadcast %mul3A_20 : i32 to vector<16xi32>
    %mul3A_22 = arith.muli %add3A_19, %mul3A_21 : vector<16xi32>
    %add3A_23 = arith.constant 48 : i32
    %add3A_24 = vector.broadcast %add3A_23 : i32 to vector<16xi32>
    %add3A_25 = arith.addi %add3A_24, %iota3A : vector<16xi32>
    %mul3A_26 = arith.constant 200 : i32
    %mul3A_27 = vector.broadcast %mul3A_26 : i32 to vector<16xi32>
    %mul3A_28 = arith.muli %add3A_25, %mul3A_27 : vector<16xi32>
    %scan3A = arith.constant 0 : i32
    %scan3A_29 = arith.constant 128 : i32
    %scan3A_30 = arith.addi %scan3A, %scan3A_29 : i32
    %scan3A_31 = arith.constant 1 : i32
    scf.for %scan3A_33 = %scan3A to %scan3A_30 step %scan3A_31  : i32 {
      %mul3A_34 = arith.constant 1 : i32
      %mul3A_35 = arith.muli %scan3A_33, %mul3A_34 : i32
      %add3A_36 = arith.constant 0 : i32
      %add3A_37 = arith.addi %add3A_36, %mul3A_35 : i32
      %mul3A_38 = arith.constant 2 : i32
      %mul3A_39 = arith.muli %mul3A_38, %add3A_37 : i32
      %dma_start3A = arith.constant 0 : i32
      %dma_start3A_40 = arith.constant 0 : i32
      %dma_start3A_41 = tpu.memref_slice %arg6[%dma_start3A, %dma_start3A_40] : memref<200x64xf32, #tpu.memory_space<vmem>> -> memref<100x64xf32, #tpu.memory_space<vmem>>
      %dma_start3A_42 = arith.constant 0 : i32
      %dma_start3A_43 = tpu.memref_slice %arg5[%mul3A_39, %dma_start3A_42] : memref<256x100xi32, #tpu.memory_space<vmem>> -> memref<1x100xi32, #tpu.memory_space<vmem>>
      %dma_start3A_44 = tpu.memref_squeeze %dma_start3A_43 : memref<1x100xi32, #tpu.memory_space<vmem>> -> memref<100xi32, #tpu.memory_space<vmem>>
      %dma_start3A_45 = arith.constant 0 : i32
      %dma_start3A_46 = arith.constant 0 : i32
      %dma_start3A_47 = tpu.memref_slice %arg3[%dma_start3A_45, %dma_start3A_46] : memref<1000000x64xf32, #tpu.memory_space<hbm>> -> memref<1000000x64xf32, #tpu.memory_space<hbm>>
      tpu.enqueue_indirect_dma source(%dma_start3A_47 : memref<1000000x64xf32, #tpu.memory_space<hbm>>) target(%dma_start3A_41 : memref<100x64xf32, #tpu.memory_space<vmem>>) offsets(%dma_start3A_44 : memref<100xi32, #tpu.memory_space<vmem>>) semaphore(%arg8 : memref<!tpu.dma_semaphore, #tpu.memory_space<semaphore_mem>>)
      %mul3A_48 = arith.constant 2 : i32
      %mul3A_49 = arith.muli %mul3A_48, %add3A_37 : i32
      %add3A_50 = arith.constant 1 : i32
      %add3A_51 = arith.addi %mul3A_49, %add3A_50 : i32
      %dma_start3A_52 = arith.constant 100 : i32
      %dma_start3A_53 = arith.constant 0 : i32
      %dma_start3A_54 = tpu.memref_slice %arg6[%dma_start3A_52, %dma_start3A_53] : memref<200x64xf32, #tpu.memory_space<vmem>> -> memref<100x64xf32, #tpu.memory_space<vmem>>
      %dma_start3A_55 = arith.constant 0 : i32
      %dma_start3A_56 = tpu.memref_slice %arg5[%add3A_51, %dma_start3A_55] : memref<256x100xi32, #tpu.memory_space<vmem>> -> memref<1x100xi32, #tpu.memory_space<vmem>>
      %dma_start3A_57 = tpu.memref_squeeze %dma_start3A_56 : memref<1x100xi32, #tpu.memory_space<vmem>> -> memref<100xi32, #tpu.memory_space<vmem>>
      %dma_start3A_58 = arith.constant 0 : i32
      %dma_start3A_59 = arith.constant 0 : i32
      %dma_start3A_60 = tpu.memref_slice %arg3[%dma_start3A_58, %dma_start3A_59] : memref<1000000x64xf32, #tpu.memory_space<hbm>> -> memref<1000000x64xf32, #tpu.memory_space<hbm>>
      tpu.enqueue_indirect_dma source(%dma_start3A_60 : memref<1000000x64xf32, #tpu.memory_space<hbm>>) target(%dma_start3A_54 : memref<100x64xf32, #tpu.memory_space<vmem>>) offsets(%dma_start3A_57 : memref<100xi32, #tpu.memory_space<vmem>>) semaphore(%arg8 : memref<!tpu.dma_semaphore, #tpu.memory_space<semaphore_mem>>)
      %dma_wait3A = arith.constant 0 : i32
      %dma_wait3A_61 = arith.constant 0 : i32
      %dma_wait3A_62 = tpu.memref_slice %arg6[%dma_wait3A, %dma_wait3A_61] : memref<200x64xf32, #tpu.memory_space<vmem>> -> memref<100x64xf32, #tpu.memory_space<vmem>>
      %dma_wait3A_63 = arith.constant 0 : i32
      %dma_wait3A_64 = tpu.memref_slice %arg5[%mul3A_39, %dma_wait3A_63] : memref<256x100xi32, #tpu.memory_space<vmem>> -> memref<1x100xi32, #tpu.memory_space<vmem>>
      %dma_wait3A_65 = tpu.memref_squeeze %dma_wait3A_64 : memref<1x100xi32, #tpu.memory_space<vmem>> -> memref<100xi32, #tpu.memory_space<vmem>>
      %dma_wait3A_66 = arith.constant 0 : i32
      %dma_wait3A_67 = arith.constant 0 : i32
      %dma_wait3A_68 = tpu.memref_slice %arg3[%dma_wait3A_66, %dma_wait3A_67] : memref<1000000x64xf32, #tpu.memory_space<hbm>> -> memref<1000000x64xf32, #tpu.memory_space<hbm>>
      tpu.wait_indirect_dma semaphore(%arg8 : memref<!tpu.dma_semaphore, #tpu.memory_space<semaphore_mem>>) src(%dma_wait3A_68 : memref<1000000x64xf32, #tpu.memory_space<hbm>>) dst(%dma_wait3A_62 : memref<100x64xf32, #tpu.memory_space<vmem>>)
      %dma_wait3A_69 = arith.constant 100 : i32
      %dma_wait3A_70 = arith.constant 0 : i32
      %dma_wait3A_71 = tpu.memref_slice %arg6[%dma_wait3A_69, %dma_wait3A_70] : memref<200x64xf32, #tpu.memory_space<vmem>> -> memref<100x64xf32, #tpu.memory_space<vmem>>
      %dma_wait3A_72 = arith.constant 0 : i32
      %dma_wait3A_73 = tpu.memref_slice %arg5[%add3A_51, %dma_wait3A_72] : memref<256x100xi32, #tpu.memory_space<vmem>> -> memref<1x100xi32, #tpu.memory_space<vmem>>
      %dma_wait3A_74 = tpu.memref_squeeze %dma_wait3A_73 : memref<1x100xi32, #tpu.memory_space<vmem>> -> memref<100xi32, #tpu.memory_space<vmem>>
      %dma_wait3A_75 = arith.constant 0 : i32
      %dma_wait3A_76 = arith.constant 0 : i32
      %dma_wait3A_77 = tpu.memref_slice %arg3[%dma_wait3A_75, %dma_wait3A_76] : memref<1000000x64xf32, #tpu.memory_space<hbm>> -> memref<1000000x64xf32, #tpu.memory_space<hbm>>
      tpu.wait_indirect_dma semaphore(%arg8 : memref<!tpu.dma_semaphore, #tpu.memory_space<semaphore_mem>>) src(%dma_wait3A_77 : memref<1000000x64xf32, #tpu.memory_space<hbm>>) dst(%dma_wait3A_71 : memref<100x64xf32, #tpu.memory_space<vmem>>)
      %scan3A_78 = arith.constant 0 : i32
      %scan3A_79 = arith.constant 200 : i32
      %scan3A_80 = arith.addi %scan3A_78, %scan3A_79 : i32
      %scan3A_81 = arith.constant 4 : i32
      scf.for %scan3A_84 = %scan3A_78 to %scan3A_80 step %scan3A_81  : i32 {
        %mul3A_85 = arith.constant 1 : i32
        %mul3A_86 = arith.muli %scan3A_84, %mul3A_85 : i32
        %add3A_87 = arith.constant 0 : i32
        %add3A_88 = arith.addi %add3A_87, %mul3A_86 : i32
        %get3A = arith.index_cast %add3A_88 : i32 to index
        %get3A_89 = arith.constant 0 : index
        %get3A_90 = tpu.vector_load %arg6[%get3A, %get3A_89] {strides = array<i32>} : memref<200x64xf32, #tpu.memory_space<vmem>>, vector<16xf32>,
        %add3A_91 = vector.broadcast %add3A_88 : i32 to vector<16xi32>
        %add3A_92 = arith.addi %mul3A_10, %add3A_91 : vector<16xi32>
        tpu.vector_store_idx %arg7[%add3A_92], %get3A_90 : memref<12800xf32, #tpu.memory_space<vmem>>[vector<16xi32>], vector<16xf32>,
        %get3A_93 = arith.index_cast %add3A_88 : i32 to index
        %get3A_94 = arith.constant 16 : index
        %get3A_95 = tpu.vector_load %arg6[%get3A_93, %get3A_94] {strides = array<i32>} : memref<200x64xf32, #tpu.memory_space<vmem>>, vector<16xf32>,
        %add3A_96 = vector.broadcast %add3A_88 : i32 to vector<16xi32>
        %add3A_97 = arith.addi %mul3A_16, %add3A_96 : vector<16xi32>
        tpu.vector_store_idx %arg7[%add3A_97], %get3A_95 : memref<12800xf32, #tpu.memory_space<vmem>>[vector<16xi32>], vector<16xf32>,
        %get3A_98 = arith.index_cast %add3A_88 : i32 to index
        %get3A_99 = arith.constant 32 : index
        %get3A_100 = tpu.vector_load %arg6[%get3A_98, %get3A_99] {strides = array<i32>} : memref<200x64xf32, #tpu.memory_space<vmem>>, vector<16xf32>,
        %add3A_101 = vector.broadcast %add3A_88 : i32 to vector<16xi32>
        %add3A_102 = arith.addi %mul3A_22, %add3A_101 : vector<16xi32>
        tpu.vector_store_idx %arg7[%add3A_102], %get3A_100 : memref<12800xf32, #tpu.memory_space<vmem>>[vector<16xi32>], vector<16xf32>,
        %get3A_103 = arith.index_cast %add3A_88 : i32 to index
        %get3A_104 = arith.constant 48 : index
        %get3A_105 = tpu.vector_load %arg6[%get3A_103, %get3A_104] {strides = array<i32>} : memref<200x64xf32, #tpu.memory_space<vmem>>, vector<16xf32>,
        %add3A_106 = vector.broadcast %add3A_88 : i32 to vector<16xi32>
        %add3A_107 = arith.addi %mul3A_28, %add3A_106 : vector<16xi32>
        tpu.vector_store_idx %arg7[%add3A_107], %get3A_105 : memref<12800xf32, #tpu.memory_space<vmem>>[vector<16xi32>], vector<16xf32>,
        %scan3A_108 = arith.constant 1 : i32
        %scan3A_109 = arith.addi %scan3A_84, %scan3A_108 : i32
        %mul3A_110 = arith.constant 1 : i32
        %mul3A_111 = arith.muli %scan3A_109, %mul3A_110 : i32
        %add3A_112 = arith.constant 0 : i32
        %add3A_113 = arith.addi %add3A_112, %mul3A_111 : i32
        %get3A_114 = arith.index_cast %add3A_113 : i32 to index
        %get3A_115 = arith.constant 0 : index
        %get3A_116 = tpu.vector_load %arg6[%get3A_114, %get3A_115] {strides = array<i32>} : memref<200x64xf32, #tpu.memory_space<vmem>>, vector<16xf32>,
        %add3A_117 = vector.broadcast %add3A_113 : i32 to vector<16xi32>
        %add3A_118 = arith.addi %mul3A_10, %add3A_117 : vector<16xi32>
        tpu.vector_store_idx %arg7[%add3A_118], %get3A_116 : memref<12800xf32, #tpu.memory_space<vmem>>[vector<16xi32>], vector<16xf32>,
        %get3A_119 = arith.index_cast %add3A_113 : i32 to index
        %get3A_120 = arith.constant 16 : index
        %get3A_121 = tpu.vector_load %arg6[%get3A_119, %get3A_120] {strides = array<i32>} : memref<200x64xf32, #tpu.memory_space<vmem>>, vector<16xf32>,
        %add3A_122 = vector.broadcast %add3A_113 : i32 to vector<16xi32>
        %add3A_123 = arith.addi %mul3A_16, %add3A_122 : vector<16xi32>
        tpu.vector_store_idx %arg7[%add3A_123], %get3A_121 : memref<12800xf32, #tpu.memory_space<vmem>>[vector<16xi32>], vector<16xf32>,
        %get3A_124 = arith.index_cast %add3A_113 : i32 to index
        %get3A_125 = arith.constant 32 : index
        %get3A_126 = tpu.vector_load %arg6[%get3A_124, %get3A_125] {strides = array<i32>} : memref<200x64xf32, #tpu.memory_space<vmem>>, vector<16xf32>,
        %add3A_127 = vector.broadcast %add3A_113 : i32 to vector<16xi32>
        %add3A_128 = arith.addi %mul3A_22, %add3A_127 : vector<16xi32>
        tpu.vector_store_idx %arg7[%add3A_128], %get3A_126 : memref<12800xf32, #tpu.memory_space<vmem>>[vector<16xi32>], vector<16xf32>,
        %get3A_129 = arith.index_cast %add3A_113 : i32 to index
        %get3A_130 = arith.constant 48 : index
        %get3A_131 = tpu.vector_load %arg6[%get3A_129, %get3A_130] {strides = array<i32>} : memref<200x64xf32, #tpu.memory_space<vmem>>, vector<16xf32>,
        %add3A_132 = vector.broadcast %add3A_113 : i32 to vector<16xi32>
        %add3A_133 = arith.addi %mul3A_28, %add3A_132 : vector<16xi32>
        tpu.vector_store_idx %arg7[%add3A_133], %get3A_131 : memref<12800xf32, #tpu.memory_space<vmem>>[vector<16xi32>], vector<16xf32>,
        %scan3A_134 = arith.constant 2 : i32
        %scan3A_135 = arith.addi %scan3A_84, %scan3A_134 : i32
        %mul3A_136 = arith.constant 1 : i32
        %mul3A_137 = arith.muli %scan3A_135, %mul3A_136 : i32
        %add3A_138 = arith.constant 0 : i32
        %add3A_139 = arith.addi %add3A_138, %mul3A_137 : i32
        %get3A_140 = arith.index_cast %add3A_139 : i32 to index
        %get3A_141 = arith.constant 0 : index
        %get3A_142 = tpu.vector_load %arg6[%get3A_140, %get3A_141] {strides = array<i32>} : memref<200x64xf32, #tpu.memory_space<vmem>>, vector<16xf32>,
        %add3A_143 = vector.broadcast %add3A_139 : i32 to vector<16xi32>
        %add3A_144 = arith.addi %mul3A_10, %add3A_143 : vector<16xi32>
        tpu.vector_store_idx %arg7[%add3A_144], %get3A_142 : memref<12800xf32, #tpu.memory_space<vmem>>[vector<16xi32>], vector<16xf32>,
        %get3A_145 = arith.index_cast %add3A_139 : i32 to index
        %get3A_146 = arith.constant 16 : index
        %get3A_147 = tpu.vector_load %arg6[%get3A_145, %get3A_146] {strides = array<i32>} : memref<200x64xf32, #tpu.memory_space<vmem>>, vector<16xf32>,
        %add3A_148 = vector.broadcast %add3A_139 : i32 to vector<16xi32>
        %add3A_149 = arith.addi %mul3A_16, %add3A_148 : vector<16xi32>
        tpu.vector_store_idx %arg7[%add3A_149], %get3A_147 : memref<12800xf32, #tpu.memory_space<vmem>>[vector<16xi32>], vector<16xf32>,
        %get3A_150 = arith.index_cast %add3A_139 : i32 to index
        %get3A_151 = arith.constant 32 : index
        %get3A_152 = tpu.vector_load %arg6[%get3A_150, %get3A_151] {strides = array<i32>} : memref<200x64xf32, #tpu.memory_space<vmem>>, vector<16xf32>,
        %add3A_153 = vector.broadcast %add3A_139 : i32 to vector<16xi32>
        %add3A_154 = arith.addi %mul3A_22, %add3A_153 : vector<16xi32>
        tpu.vector_store_idx %arg7[%add3A_154], %get3A_152 : memref<12800xf32, #tpu.memory_space<vmem>>[vector<16xi32>], vector<16xf32>,
        %get3A_155 = arith.index_cast %add3A_139 : i32 to index
        %get3A_156 = arith.constant 48 : index
        %get3A_157 = tpu.vector_load %arg6[%get3A_155, %get3A_156] {strides = array<i32>} : memref<200x64xf32, #tpu.memory_space<vmem>>, vector<16xf32>,
        %add3A_158 = vector.broadcast %add3A_139 : i32 to vector<16xi32>
        %add3A_159 = arith.addi %mul3A_28, %add3A_158 : vector<16xi32>
        tpu.vector_store_idx %arg7[%add3A_159], %get3A_157 : memref<12800xf32, #tpu.memory_space<vmem>>[vector<16xi32>], vector<16xf32>,
        %scan3A_160 = arith.constant 3 : i32
        %scan3A_161 = arith.addi %scan3A_84, %scan3A_160 : i32
        %mul3A_162 = arith.constant 1 : i32
        %mul3A_163 = arith.muli %scan3A_161, %mul3A_162 : i32
        %add3A_164 = arith.constant 0 : i32
        %add3A_165 = arith.addi %add3A_164, %mul3A_163 : i32
        %get3A_166 = arith.index_cast %add3A_165 : i32 to index
        %get3A_167 = arith.constant 0 : index
        %get3A_168 = tpu.vector_load %arg6[%get3A_166, %get3A_167] {strides = array<i32>} : memref<200x64xf32, #tpu.memory_space<vmem>>, vector<16xf32>,
        %add3A_169 = vector.broadcast %add3A_165 : i32 to vector<16xi32>
        %add3A_170 = arith.addi %mul3A_10, %add3A_169 : vector<16xi32>
        tpu.vector_store_idx %arg7[%add3A_170], %get3A_168 : memref<12800xf32, #tpu.memory_space<vmem>>[vector<16xi32>], vector<16xf32>,
        %get3A_171 = arith.index_cast %add3A_165 : i32 to index
        %get3A_172 = arith.constant 16 : index
        %get3A_173 = tpu.vector_load %arg6[%get3A_171, %get3A_172] {strides = array<i32>} : memref<200x64xf32, #tpu.memory_space<vmem>>, vector<16xf32>,
        %add3A_174 = vector.broadcast %add3A_165 : i32 to vector<16xi32>
        %add3A_175 = arith.addi %mul3A_16, %add3A_174 : vector<16xi32>
        tpu.vector_store_idx %arg7[%add3A_175], %get3A_173 : memref<12800xf32, #tpu.memory_space<vmem>>[vector<16xi32>], vector<16xf32>,
        %get3A_176 = arith.index_cast %add3A_165 : i32 to index
        %get3A_177 = arith.constant 32 : index
        %get3A_178 = tpu.vector_load %arg6[%get3A_176, %get3A_177] {strides = array<i32>} : memref<200x64xf32, #tpu.memory_space<vmem>>, vector<16xf32>,
        %add3A_179 = vector.broadcast %add3A_165 : i32 to vector<16xi32>
        %add3A_180 = arith.addi %mul3A_22, %add3A_179 : vector<16xi32>
        tpu.vector_store_idx %arg7[%add3A_180], %get3A_178 : memref<12800xf32, #tpu.memory_space<vmem>>[vector<16xi32>], vector<16xf32>,
        %get3A_181 = arith.index_cast %add3A_165 : i32 to index
        %get3A_182 = arith.constant 48 : index
        %get3A_183 = tpu.vector_load %arg6[%get3A_181, %get3A_182] {strides = array<i32>} : memref<200x64xf32, #tpu.memory_space<vmem>>, vector<16xf32>,
        %add3A_184 = vector.broadcast %add3A_165 : i32 to vector<16xi32>
        %add3A_185 = arith.addi %mul3A_28, %add3A_184 : vector<16xi32>
        tpu.vector_store_idx %arg7[%add3A_185], %get3A_183 : memref<12800xf32, #tpu.memory_space<vmem>>[vector<16xi32>], vector<16xf32>,
      }
      %scan3A_82 = arith.constant 200 : i32
      %add3A_83 = arith.addi %mul3A_2, %add3A_37 : i32
      "tpu.region"() ({
        %run_scoped3A = tpu.sem_alloc : memref<!tpu.dma_semaphore, #tpu.memory_space<semaphore_mem>>
        %dma_start3A_84 = arith.constant 0 : i32
        %dma_start3A_85 = tpu.memref_slice %arg4[%add3A_83, %dma_start3A_84] : memref<4096x12800xf32, #tpu.memory_space<hbm>> -> memref<1x12800xf32, #tpu.memory_space<hbm>>
        %dma_start3A_86 = tpu.memref_squeeze %dma_start3A_85 : memref<1x12800xf32, #tpu.memory_space<hbm>> -> memref<12800xf32, #tpu.memory_space<hbm>>
        %dma_start3A_87 = arith.constant 0 : i32
        %dma_start3A_88 = tpu.memref_slice %arg4[%add3A_83, %dma_start3A_87] : memref<4096x12800xf32, #tpu.memory_space<hbm>> -> memref<1x12800xf32, #tpu.memory_space<hbm>>
        %dma_start3A_89 = tpu.memref_squeeze %dma_start3A_88 : memref<1x12800xf32, #tpu.memory_space<hbm>> -> memref<12800xf32, #tpu.memory_space<hbm>>
        tpu.enqueue_dma source(%arg7 : memref<12800xf32, #tpu.memory_space<vmem>>) target(%dma_start3A_89 : memref<12800xf32, #tpu.memory_space<hbm>>) target_semaphore(%run_scoped3A : memref<!tpu.dma_semaphore, #tpu.memory_space<semaphore_mem>>)
        %dma_wait3A_90 = arith.constant 0 : i32
        %dma_wait3A_91 = tpu.memref_slice %arg4[%add3A_83, %dma_wait3A_90] : memref<4096x12800xf32, #tpu.memory_space<hbm>> -> memref<1x12800xf32, #tpu.memory_space<hbm>>
        %dma_wait3A_92 = tpu.memref_squeeze %dma_wait3A_91 : memref<1x12800xf32, #tpu.memory_space<hbm>> -> memref<12800xf32, #tpu.memory_space<hbm>>
        %dma_wait3A_93 = arith.constant 0 : i32
        %dma_wait3A_94 = tpu.memref_slice %arg4[%add3A_83, %dma_wait3A_93] : memref<4096x12800xf32, #tpu.memory_space<hbm>> -> memref<1x12800xf32, #tpu.memory_space<hbm>>
        %dma_wait3A_95 = tpu.memref_squeeze %dma_wait3A_94 : memref<1x12800xf32, #tpu.memory_space<hbm>> -> memref<12800xf32, #tpu.memory_space<hbm>>
        tpu.wait_dma2 semaphore(%run_scoped3A : memref<!tpu.dma_semaphore, #tpu.memory_space<semaphore_mem>>) src(%arg7 : memref<12800xf32, #tpu.memory_space<vmem>>) dst(%dma_wait3A_95 : memref<12800xf32, #tpu.memory_space<hbm>>)
        tpu.yield
      }) : () -> ()
    }
    %scan3A_32 = arith.constant 128 : i32
    return
  }
}

</mosaic_0001>

<sc_bundles>
// kernel: kernel.3.cloned.1.call-start
scs
__scs_entry_jumppad:
0x0: {  	(pc) =	sbr.rel $0x88, $3  }
0x1: {  	(tag) =	ssettag $0x0;
	lr =	simm.s32 $0x1  }
0x2: {  	[smem:$0x3F9F] =	sst lr;
	_ =	strace $0xD0000000  }
0x3: {  	_ = 	snop  }
0x4: {  	_ = 	snop  }
0x5: {  	_ = 	snop  }
0x6: {  	_ = 	snop  }
0x7: {  	_ = 	snop  }
__scs_overlays_trampoline_lowered:
0x8: {  	[smem:$0x3FAE] =	sst s0  }
0x9: {  	[smem:$0x3FAF] =	sst s1  }
0xa: {  	[smem:$0x3FB0] =	sst s2  }
0xb: {  	[smem:$0x3FB1] =	sst s3  }
0xc: {  	[smem:$0x3FB2] =	sst s4  }
0xd: {  	[smem:$0x3FB3] =	sst s5  }
0xe: {  	[smem:$0x3FB4] =	sst s6  }
0xf: {  	[smem:$0x3FB5] =	sst s7  }
0x10: {  	[smem:$0x3FB6] =	sst s8  }
0x11: {  	[smem:$0x3FB7] =	sst s9;
	s0 =	simm.s32 @!p0 $0x0  }
0x12: {  	s1 =	sld [smem:$0x3F9D];
	s0 =	simm.s32 @p0 $0x1  }
0x13: {  	[smem:$0x3FB8] =	sst s0;
	s0 =	simm.s32 @!p1 $0x0  }
0x14: {  	s2 =	sld [smem:$0x3F9C];
	s0 =	simm.s32 @p1 $0x1  }
0x15: {  	[smem:$0x3FB9] =	sst s0;
	s0 =	simm.s32 @!p2 $0x0  }
0x16: {  	s3 =	sld [smem:$0x3FDB];
	s0 =	simm.s32 @p2 $0x1  }
0x17: {  	s4 =	simm.s32 $0x1BF5;
	[smem:$0x3FBB] =	sst s0  }
0x18: {  	s0 =	sld [smem:$0x3F9E];
	_ =	swait.ge [sflag:s4], $0x0  }
0x19: {  	s7 =	sld [smem:$0x3F9F]  }
0x1a: {  	s8 =	sadd.s32 $0xFFFFE003, lr  }
0x1b: {  	s9 =	sadd.s32 $0xFFFFFEF7, lr;
	s5 =	simm.s32 $0xFFFFFFFF;
	p2 =	slt.u32 s8, $0xFFFFF086  }
0x1c: {  	p1 =	slt.u32 s9, $0xF7A;
	s5 =	simm.s32 @!p2 $0x0  }
0x1d: {  	s5 =	simm.s32 @p1 $0x1;
	p0 =	seq.s32 s7, s2  }
0x1e: {  	s7 =	smul.u32 @!p0 $0xF7A, s2;
	p2 =	seq.s32 @!p0 s5, $0x0  }
0x1f: {  	s9 =	smul.u32 $0xF7A, s1;
	s8 =	simm.s32 @!p0 $0x1BF5;
	p2 =	por !p2, p0  }
0x20: {  	[sflag:s8] =	ssyncset.s32 @!p0 $0xFFFFF086;
	s6 =	sadd.s32 @!p0 s3, s7;
	s7 =	simm.s32 @!p0 $0x108  }
0x21: {  	s3 =	sadd.s32 s3, s9;
	s6 =	sadd.s32 @!p0 $0x88, s6;
	s7 =	simm.s32 @p2 $0x1082  }
0x22: {  	[simem:s7], [sflag:s8] =	dma.local @!p0 [hbm:s6], $0xF7A  }
0x23: {  	s9 =	sor.u32 $0xD0000000, s2;
	s6 =	simm.s32 $0x108;
	_ =	swait.ge @!p0 [sflag:s8], $0x0  }
0x24: {  	s3 =	sadd.s32 $0x88, s3;
	s6 =	simm.s32 @!p1 $0x1082;
	[sflag:s4] =	ssyncset.s32 $0xFFFFF086  }
0x25: {  	[simem:s6], [sflag:s4] =	dma.local [hbm:s3], $0xF7A  }
0x26: {  	[smem:$0x3F9F] =	sst s1;
	(tag) =	ssettag s2;
	_ =	strace s9  }
0x27: {  	s1 =	sld [smem:$0x3FAF]  }
0x28: {  	s2 =	sld [smem:$0x3FB0]  }
0x29: {  	s4 =	sld [smem:$0x3FB2]  }
0x2a: {  	p0 =	seq.s32 s5, $0x0;
	s5 =	sld [smem:$0x3FB3]  }
0x2b: {  	s6 =	sld [smem:$0x3FB4]  }
0x2c: {  	s7 =	sld [smem:$0x3FB5]  }
0x2d: {  	s3 =	simm.s32 $0x108;
	s8 =	sld [smem:$0x3FB6]  }
0x2e: {  	s3 =	simm.s32 @!p0 $0x1082;
	s9 =	sld [smem:$0x3FB7]  }
0x2f: {  	lr =	sadd.s32 s0, s3;
	s0 =	sld [smem:$0x3FAE]  }
0x30: {  	s3 =	sld [smem:$0x3FB1]  }
0x31: {  	[smem:$0x3FBA] =	sst s10  }
0x32: {  	s10 =	sld [smem:$0x3FB8];
	_ =	sdelay $0x3  }
0x33: {  	p0 =	seq.s32 s10, $0x1;
	s10 =	sld [smem:$0x3FBA];
	_ =	sdelay $0x3  }
0x34: {  	[smem:$0x3FBA] =	sst s10  }
0x35: {  	s10 =	sld [smem:$0x3FB9];
	_ =	sdelay $0x3  }
0x36: {  	p1 =	seq.s32 s10, $0x1;
	s10 =	sld [smem:$0x3FBA];
	_ =	sdelay $0x3  }
0x37: {  	[smem:$0x3FBA] =	sst s10  }
0x38: {  	s10 =	sld [smem:$0x3FBB]  }
0x39: {  	_ = 	snop;
	(pc) =	sbr.ind lr, $3  }
0x3a: {  	_ = 	snop  }
0x3b: {  	_ = 	snop  }
0x3c: {  	p2 =	seq.s32 s10, $0x1;
	s10 =	sld [smem:$0x3FBA]  }
0x3d: {  	_ =	shalt  }
0x3e: {  	_ =	shalt  }
0x3f: {  	_ =	shalt  }
0x40: {  	_ =	shalt  }
0x41: {  	_ =	shalt  }
0x42: {  	_ =	shalt  }
0x43: {  	_ =	shalt  }
0x44: {  	_ =	shalt  }
0x45: {  	_ =	shalt  }
0x46: {  	_ =	shalt  }
0x47: {  	_ =	shalt  }
0x48: {  	_ =	shalt  }
0x49: {  	_ =	shalt  }
0x4a: {  	_ =	shalt  }
0x4b: {  	_ =	shalt  }
0x4c: {  	_ =	shalt  }
0x4d: {  	_ =	shalt  }
0x4e: {  	_ =	shalt  }
0x4f: {  	_ =	shalt  }
0x50: {  	_ =	shalt  }
0x51: {  	_ =	shalt  }
0x52: {  	_ =	shalt  }
0x53: {  	_ =	shalt  }
0x54: {  	_ =	shalt  }
0x55: {  	_ =	shalt  }
0x56: {  	_ =	shalt  }
0x57: {  	_ =	shalt  }
0x58: {  	_ =	shalt  }
0x59: {  	_ =	shalt  }
0x5a: {  	_ =	shalt  }
0x5b: {  	_ =	shalt  }
0x5c: {  	_ =	shalt  }
0x5d: {  	_ =	shalt  }
0x5e: {  	_ =	shalt  }
0x5f: {  	_ =	shalt  }
0x60: {  	_ =	shalt  }
0x61: {  	_ =	shalt  }
0x62: {  	_ =	shalt  }
0x63: {  	_ =	shalt  }
0x64: {  	_ =	shalt  }
0x65: {  	_ =	shalt  }
0x66: {  	_ =	shalt  }
0x67: {  	_ =	shalt  }
0x68: {  	_ =	shalt  }
0x69: {  	_ =	shalt  }
0x6a: {  	_ =	shalt  }
0x6b: {  	_ =	shalt  }
0x6c: {  	_ =	shalt  }
0x6d: {  	_ =	shalt  }
0x6e: {  	_ =	shalt  }
0x6f: {  	_ =	shalt  }
0x70: {  	_ =	shalt  }
0x71: {  	_ =	shalt  }
0x72: {  	_ =	shalt  }
0x73: {  	_ =	shalt  }
0x74: {  	_ =	shalt  }
0x75: {  	_ =	shalt  }
0x76: {  	_ =	shalt  }
0x77: {  	_ =	shalt  }
0x78: {  	_ =	shalt  }
0x79: {  	_ =	shalt  }
0x7a: {  	_ =	shalt  }
0x7b: {  	_ =	shalt  }
0x7c: {  	_ =	shalt  }
0x7d: {  	_ =	shalt  }
0x7e: {  	_ =	shalt  }
0x7f: {  	_ =	shalt  }
0x80: {  	_ =	shalt  }
0x81: {  	_ =	shalt  }
0x82: {  	_ =	shalt  }
0x83: {  	_ =	shalt  }
0x84: {  	_ =	shalt  }
0x85: {  	_ =	shalt  }
0x86: {  	_ =	shalt  }
0x87: {  	_ =	shalt  }
.Lfunc_end0:
.L_simem_size_0:
called_computation.1_lowered:
.L_overlay_start_0:
0x88: {  	s2 =	sld [smem:$0x3FD9]  }
0x89: {  	s3 =	sld [smem:$0x3FFE];
	_ =	sdelay $0x1  }
0x8a: {  	s1 =	srdreg.scid  }
0x8b: {  	s0 =	sand.u32 $0x1, s1  }
0x8c: {  	s17 =	sshll.u32 s0, $0xA;
	s2 =	sadd.s32 s3, s2  }
0x8d: {  	s2 =	sadd.s32 s2, s17  }
0x8e: {  	[smem:$0x3FC6] =	sst s2  }
0x8f: {  	_ = 	snop  }
0x90: {  	s2 =	sld [smem:$0x3FD0];
	(tm) =	ssettm $0x1  }
0x91: {  	s18 =	sld [smem:$0x3FFB];
	_ =	sdelay $0x3  }
0x92: {  	_ =	strace s18  }
0x93: {  	s3 =	sld [smem:$0x3FFC];
	_ =	sdelay $0x3  }
0x94: {  	_ =	strace s3  }
0x95: {  	s3 =	sld [smem:$0x3FFD];
	_ =	sdelay $0x3  }
0x96: {  	_ =	strace s3  }
0x97: {  	_ =	strace $0x8FFFFFFF  }
0x98: {  	s19 =	sld [smem:$0x3FDB];
	_ =	sdelay $0x1  }
0x99: {  	s4 =	simm.s32 $_scs_section_size  }
0x9a: {  	s5 =	simm.s32 $_size__tile_overlayer_lowered;
	s6 =	simm.s32 $_tile_overlayer_lowered  }
0x9b: {  	s22 =	simm.s32 $0x1BFF;
	s21 =	sshll.u32 s6, $0x1;
	s3 =	sadd.s32 s4, s19  }
0x9c: {  	s7 =	simm.s32 $0x0;
	s20 =	sshll.u32 s5, $0x1;
	s5 =	sadd.s32 s21, s3  }
0x9d: {  	[timem:s7], [sflag:s22] =	dma.local [hbm:s5], s20  }
0x9e: {  	_ =	swait.ge [sflag:s22], s20  }
0x9f: {  	s4 =	ssub.s32 $0x0, s20;
	[sflag:s22] =	ssyncset.done $0x0  }
0xa0: {  	[sflag:s22] =	ssyncadd.s32 s4;
	_ =	sdelay $0x1  }
0xa1: {  	s23 =	simm.s32 $0x1B8B  }
0xa2: {  	_ =	swait.ge [sflag:s23], $0x1  }
0xa3: {  	[sflag:s23] =	ssyncset.done $0x0  }
0xa4: {  	s25 =	simm.s32 $0x1B8E;
	s24 =	sld [smem:$0x3FFE];
	[sflag:s23] =	ssyncadd.s32 $0xFFFFFFFF  }
0xa5: {  	s26 =	simm.s32 $execute0_lowered;
	[smem:$0x3FD2] =	sst s25  }
0xa6: {  	s5 =	sshll.u32 s26, $0x1;
	_ =	strace $0x80000046;
	[dreg:$0x1] =	wrdreg $0xFFFFFFFF  }
0xa7: {  	s28 =	simm.s32 $_size_execute0_lowered;
	s3 =	sadd.s32 s3, s5;
	[dreg:$0x0] =	wrdreg $0x0  }
0xa8: {  	s5 =	sshll.u32 s28, $0x1;
	[dreg:$0x2] =	wrdreg s3  }
0xa9: {  	[dreg:$0x3] =	wrdreg s5  }
0xaa: {  	[dreg:$0x4] =	wrdreg $0xC0  }
0xab: {  	_ =	task [dreg:s7], $0x5FFFF  }
0xac: {  	[dreg:$0x1] =	wrdreg $0xFFFFFFFF  }
0xad: {  	[dreg:$0x0] =	wrdreg $0x60  }
0xae: {  	[dreg:$0x2] =	wrdreg s24  }
0xaf: {  	[dreg:$0x3] =	wrdreg s2  }
0xb0: {  	[dreg:$0x4] =	wrdreg $0x9  }
0xb1: {  	_ =	task.clear_ibuf [dreg:s7], $0x5FFFF;
	_ =	strace $0x90000046  }
0xb2: {  	s29 =	simm.s32 $0x9;
	_ =	strace $0x80000048  }
0xb3: {  	_ =	swait.ge [sflag:s29], $0x1  }
0xb4: {  	[sflag:s29] =	ssyncadd.s32 $0xFFFFFFFF  }
0xb5: {  	_ =	strace $0x90000048  }
0xb6: {  	_ =	sfence  }
0xb7: {  	s30 =	sld [smem:$0x0];
	_ =	sdelay $0x2  }
0xb8: {  	s31 =	sshll.u32 s1, $0xD;
	s1 =	sshrl.u32 s1, $0x2  }
0xb9: {  	s3 =	sand.u32 $0x4000, s31;
	s1 =	sadd.s32 s1, s30  }
0xba: {  	s0 =	sor.u32 s3, s0;
	s1 =	sshll.u32 s1, $0x11  }
0xbb: {  	s0 =	sor.u32 s1, s0  }
0xbc: {  	s0 =	sadd.s32 $0x8F2B, s0  }
0xbd: {  	[sflag:s0] =	ssyncadd.remote.s32 $0x1  }
0xbe: {  	_ =	sfence.sel $0xFFFF  }
0xbf: {  	[dreg:$0x0] =	wrdreg $0xFFFFFFFF;
	(pc) =	sbr.abs _section_cstart, $3  }
0xc0: {  	[dreg:$0x1] =	wrdreg $0xFFFFFFFF  }
0xc1: {  	_ =	task.clear_ibuf [dreg:s7], $0x2FFFF;
	_ =	strace $0x9FFFFFFF  }
0xc2: {  	(tm) =	ssettm $0x7FFFFFFF  }
0xc3: {  	_ =	shalt  }
tec
execute0_lowered:
.L_overlay_start_1:
0x0: {  	(tag) =	ssettag $0x1  }
0x1: {  	s1 =	srdreg.scid  }
0x2: {  	s0 =	stileid.u32;
	s4 =	rddreg [dreg:$0x0]  }
0x3: {  	s2 =	rddreg [dreg:$0x1];
	s3 =	simm.s32 $0x0;
	s9 =	simm.s32 $0x64  }
0x4: {  	s10 =	simm.s32 $0x6800;
	s11 =	simm.s32 $0x8100;
	s12 =	simm.s32 $0x1  }
0x5: {  	s13 =	simm.s32 $0x9A00;
	s5 =	sand.u32 $0x1, s1;
	s31 =	sshll.u32 s0, $0x1  }
0x6: {  	s14 =	simm.s32 $0x0;
	s6 =	sor.u32 s5, s31;
	s5 =	ssub.s32 $0x2, s5  }
0x7: {  	v0 =	vlaneseq.u32;
	[smem:$0x7FF] =	sst s3;
	s7 =	smul.u32 $0xD00, s6;
	s8 =	sshrl.u32 s5, $0x1  }
0x8: {  	s1 =	rddreg [dreg:$0x2];
	v0 =	vmul.u32 $0xC8, v0;
	_ =	strace $0x80000047;
	s8 =	ssub.s32 s5, s8  }
0x9: {  	s5 =	sshll.u32 s6, $0x7;
	s7 =	sadd.s32 s7, s4;
	s4 =	sadd.s32 $0xF42E00, s4  }
0xa: {  	v1 =	vadd.s32 $0xC80, v0;
	v2 =	vadd.s32 $0x1900, v0;
	v3 =	vadd.s32 $0x2580, v0;
	s6 =	sadd.s32 $0xA00, s7;
	s7 =	smax.u32 s8, $0x1;
	s8 =	simm.s32 $0x2  }
.LBB2_1:
0xb: {  	[tilespmem:s3], [sflag:$0x2] =	stream.linear.gather [hbm4b:s6+s3], $0x6800, $0x38;
	[tilespmem:$0xCC00] =	vst v63  }
0xc: {  	_ =	swait.ge [sflag:s8], $0x6800  }
0xd: {  	[sflag:s8] =	ssyncset.done $0x0  }
0xe: {  	s15 =	simm.s32 $0x0;
	[sflag:s8] =	ssyncadd.s32 $0xFFFF9800  }
.LBB2_2:
0xf: {  	s16 =	smul.u32 $0x340, s15;
	_ =	sdelay $0x1  }
0x10: {  	s16 =	sshra.s32 s16, $0x2  }
0x11: {  	[tilespmem:s10], [sflag:$0x1] =	stream.indirect.gather [hbm4b:s4+s9], $0x40, s16, s9, $0xb8;
	[tilespmem:$0xCC00] =	vst v63  }
0x12: {  	s16 =	sadd.s32 $0x68, s16  }
0x13: {  	[tilespmem:s11], [sflag:$0x1] =	stream.indirect.gather [hbm4b:s4+s9], $0x40, s16, s9, $0xb8;
	[tilespmem:$0xCC00] =	vst v63  }
0x14: {  	_ =	swait.ge [sflag:s12], $0x1900  }
0x15: {  	[sflag:s12] =	ssyncset.done $0x0  }
0x16: {  	[sflag:s12] =	ssyncadd.s32 $0xFFFFE700  }
0x17: {  	s17 =	simm.s32 $0x0;
	_ =	swait.ge [sflag:s12], $0x1900  }
0x18: {  	v4 =	vmov s17;
	v5 =	vadd.s32 s17, v0;
	[sflag:s12] =	ssyncset.done $0x0  }
0x19: {  	v5 =	vand.u32 $0x1FF8, v5;
	v4 =	vand.u32 $0x4, v4;
	s16 =	simm.s32 $0x6880;
	[sflag:s12] =	ssyncadd.s32 $0xFFFFE700  }
0x1a: {  	v5 =	vor.u32 v4, v5;
	v6 =	vld [tilespmem:s16+$0xFFFFFF80];
	_ =	sdelay $0x3  }
0x1b: {  	v7 =	vadd.s32 s17, v1  }
0x1c: {  	[tilespmem:v5+s13+$0x0] =	vst.idx.msk $0xffff, v6;
	v5 =	vand.u32 $0x3FF8, v7  }
0x1d: {  	v6 =	vld [tilespmem:s16+$0xFFFFFF90];
	v5 =	vor.u32 v4, v5;
	_ =	sdelay $0x3  }
0x1e: {  	v7 =	vadd.s32 s17, v2  }
0x1f: {  	[tilespmem:v5+s13+$0x0] =	vst.idx.msk $0xffff, v6;
	v5 =	vand.u32 $0x7FF8, v7  }
0x20: {  	v6 =	vld [tilespmem:s16+$0xFFFFFFA0];
	v5 =	vor.u32 v4, v5;
	_ =	sdelay $0x3  }
0x21: {  	v7 =	vadd.s32 s17, v3  }
0x22: {  	[tilespmem:v5+s13+$0x0] =	vst.idx.msk $0xffff, v6;
	v5 =	vand.u32 $0x7FF8, v7  }
0x23: {  	v6 =	vld [tilespmem:s16+$0xFFFFFFB0];
	v4 =	vor.u32 v4, v5;
	_ =	sdelay $0x2  }
0x24: {  	s30 =	simm.s32 $0x1  }
0x25: {  	v7 =	vadd.s32 s30, v0;
	v5 =	vmov s30  }
0x26: {  	v5 =	vand.u32 $0x5, v5;
	[tilespmem:v4+s13+$0x0] =	vst.idx.msk $0xffff, v6;
	v4 =	vand.u32 $0x1FF8, v7  }
0x27: {  	v6 =	vld [tilespmem:s16+$0xFFFFFFC0];
	v4 =	vor.u32 v5, v4;
	_ =	sdelay $0x3  }
0x28: {  	v7 =	vadd.s32 s30, v1  }
0x29: {  	[tilespmem:v4+s13+$0x0] =	vst.idx.msk $0xffff, v6;
	v4 =	vand.u32 $0x3FF8, v7  }
0x2a: {  	v6 =	vld [tilespmem:s16+$0xFFFFFFD0];
	v4 =	vor.u32 v5, v4;
	_ =	sdelay $0x3  }
0x2b: {  	v7 =	vadd.s32 s30, v2  }
0x2c: {  	[tilespmem:v4+s13+$0x0] =	vst.idx.msk $0xffff, v6;
	v4 =	vand.u32 $0x7FF8, v7  }
0x2d: {  	v6 =	vld [tilespmem:s16+$0xFFFFFFE0];
	v4 =	vor.u32 v5, v4;
	_ =	sdelay $0x3  }
0x2e: {  	v7 =	vadd.s32 s30, v3  }
0x2f: {  	[tilespmem:v4+s13+$0x0] =	vst.idx.msk $0xffff, v6;
	v4 =	vand.u32 $0x7FF8, v7  }
0x30: {  	v6 =	vld [tilespmem:s16+$0xFFFFFFF0];
	v4 =	vor.u32 v5, v4;
	_ =	sdelay $0x2  }
0x31: {  	s31 =	simm.s32 $0x2  }
0x32: {  	v7 =	vadd.s32 s31, v0;
	v5 =	vmov s31  }
0x33: {  	v5 =	vand.u32 $0x6, v5;
	[tilespmem:v4+s13+$0x0] =	vst.idx.msk $0xffff, v6;
	v4 =	vand.u32 $0x1FF8, v7  }
0x34: {  	v6 =	vld [tilespmem:s16+$0x0];
	v4 =	vor.u32 v5, v4;
	_ =	sdelay $0x3  }
0x35: {  	v7 =	vadd.s32 s31, v1  }
0x36: {  	[tilespmem:v4+s13+$0x0] =	vst.idx.msk $0xffff, v6;
	v4 =	vand.u32 $0x3FF8, v7  }
0x37: {  	v6 =	vld [tilespmem:s16+$0x10];
	v4 =	vor.u32 v5, v4;
	_ =	sdelay $0x3  }
0x38: {  	v7 =	vadd.s32 s31, v2  }
0x39: {  	[tilespmem:v4+s13+$0x0] =	vst.idx.msk $0xffff, v6;
	v4 =	vand.u32 $0x7FF8, v7  }
0x3a: {  	v6 =	vld [tilespmem:s16+$0x20];
	v4 =	vor.u32 v5, v4;
	_ =	sdelay $0x3  }
0x3b: {  	v7 =	vadd.s32 s31, v3  }
0x3c: {  	[tilespmem:v4+s13+$0x0] =	vst.idx.msk $0xffff, v6;
	v4 =	vand.u32 $0x7FF8, v7  }
0x3d: {  	v6 =	vld [tilespmem:s16+$0x30];
	v4 =	vor.u32 v5, v4;
	_ =	sdelay $0x4  }
0x3e: {  	s18 =	simm.s32 $0x3;
	[tilespmem:v4+s13+$0x0] =	vst.idx.msk $0xffff, v6  }
0x3f: {  	v5 =	vadd.s32 s18, v0;
	v4 =	vld [tilespmem:s16+$0x40];
	_ =	sdelay $0x4  }
0x40: {  	[tilespmem:v5+s13+$0x0] =	vst.idx.msk $0xffff, v4  }
0x41: {  	v5 =	vadd.s32 s18, v1;
	v4 =	vld [tilespmem:s16+$0x50];
	_ =	sdelay $0x4  }
0x42: {  	[tilespmem:v5+s13+$0x0] =	vst.idx.msk $0xffff, v4  }
0x43: {  	v5 =	vadd.s32 s18, v2;
	v4 =	vld [tilespmem:s16+$0x60];
	_ =	sdelay $0x4  }
0x44: {  	[tilespmem:v5+s13+$0x0] =	vst.idx.msk $0xffff, v4  }
0x45: {  	v5 =	vadd.s32 s18, v3;
	v4 =	vld [tilespmem:s16+$0x70];
	_ =	sdelay $0x2  }
0x46: {  	s17 =	simm.s32 $0x4  }
0x47: {  	v7 =	vadd.s32 s17, v0;
	v6 =	vmov s17;
	s18 =	simm.s32 $0x8  }
.LBB2_3:
0x48: {  	p0 =	slt.u32 s18, $0xC4;
	v7 =	vand.u32 $0x1FF8, v7;
	v6 =	vand.u32 $0x4, v6;
	[tilespmem:v5+s13+$0x0] =	vst.idx.msk $0xffff, v4;
	s16 =	sadd.s32 $0x100, s16  }
0x49: {  	v4 =	vld [tilespmem:s16+$0xFFFFFF80];
	v5 =	vor.u32 v6, v7;
	_ =	sdelay $0x3  }
0x4a: {  	v7 =	vadd.s32 s17, v1  }
0x4b: {  	[tilespmem:v5+s13+$0x0] =	vst.idx.msk $0xffff, v4;
	v4 =	vand.u32 $0x3FF8, v7  }
0x4c: {  	v5 =	vld [tilespmem:s16+$0xFFFFFF90];
	v4 =	vor.u32 v6, v4;
	_ =	sdelay $0x3  }
0x4d: {  	v7 =	vadd.s32 s17, v2  }
0x4e: {  	[tilespmem:v4+s13+$0x0] =	vst.idx.msk $0xffff, v5;
	v4 =	vand.u32 $0x7FF8, v7  }
0x4f: {  	v5 =	vld [tilespmem:s16+$0xFFFFFFA0];
	v4 =	vor.u32 v6, v4;
	_ =	sdelay $0x3  }
0x50: {  	v7 =	vadd.s32 s17, v3  }
0x51: {  	[tilespmem:v4+s13+$0x0] =	vst.idx.msk $0xffff, v5;
	v4 =	vand.u32 $0x7FF8, v7  }
0x52: {  	v5 =	vld [tilespmem:s16+$0xFFFFFFB0];
	v4 =	vor.u32 v6, v4;
	_ =	sdelay $0x2  }
0x53: {  	s19 =	sadd.s32 $0x1, s17  }
0x54: {  	v7 =	vadd.s32 s19, v0;
	v6 =	vmov s19  }
0x55: {  	[tilespmem:v4+s13+$0x0] =	vst.idx.msk $0xffff, v5;
	v4 =	vand.u32 $0x1FF8, v7;
	v5 =	vand.u32 $0x5, v6  }
0x56: {  	v6 =	vld [tilespmem:s16+$0xFFFFFFC0];
	v4 =	vor.u32 v5, v4;
	_ =	sdelay $0x3  }
0x57: {  	v7 =	vadd.s32 s19, v1  }
0x58: {  	[tilespmem:v4+s13+$0x0] =	vst.idx.msk $0xffff, v6;
	v4 =	vand.u32 $0x3FF8, v7  }
0x59: {  	v6 =	vld [tilespmem:s16+$0xFFFFFFD0];
	v4 =	vor.u32 v5, v4;
	_ =	sdelay $0x3  }
0x5a: {  	v7 =	vadd.s32 s19, v2  }
0x5b: {  	[tilespmem:v4+s13+$0x0] =	vst.idx.msk $0xffff, v6;
	v4 =	vand.u32 $0x7FF8, v7  }
0x5c: {  	v6 =	vld [tilespmem:s16+$0xFFFFFFE0];
	v4 =	vor.u32 v5, v4;
	_ =	sdelay $0x3  }
0x5d: {  	v7 =	vadd.s32 s19, v3  }
0x5e: {  	[tilespmem:v4+s13+$0x0] =	vst.idx.msk $0xffff, v6;
	v4 =	vand.u32 $0x7FF8, v7  }
0x5f: {  	v6 =	vld [tilespmem:s16+$0xFFFFFFF0];
	v4 =	vor.u32 v5, v4;
	_ =	sdelay $0x2  }
0x60: {  	s19 =	sadd.s32 $0x2, s17  }
0x61: {  	v7 =	vadd.s32 s19, v0;
	v5 =	vmov s19  }
0x62: {  	v5 =	vand.u32 $0x6, v5;
	[tilespmem:v4+s13+$0x0] =	vst.idx.msk $0xffff, v6;
	v4 =	vand.u32 $0x1FF8, v7  }
0x63: {  	v6 =	vld [tilespmem:s16+$0x0];
	v4 =	vor.u32 v5, v4;
	_ =	sdelay $0x3  }
0x64: {  	v7 =	vadd.s32 s19, v1  }
0x65: {  	[tilespmem:v4+s13+$0x0] =	vst.idx.msk $0xffff, v6;
	v4 =	vand.u32 $0x3FF8, v7  }
0x66: {  	v6 =	vld [tilespmem:s16+$0x10];
	v4 =	vor.u32 v5, v4;
	_ =	sdelay $0x3  }
0x67: {  	v7 =	vadd.s32 s19, v2  }
0x68: {  	[tilespmem:v4+s13+$0x0] =	vst.idx.msk $0xffff, v6;
	v4 =	vand.u32 $0x7FF8, v7  }
0x69: {  	v6 =	vld [tilespmem:s16+$0x20];
	v4 =	vor.u32 v5, v4;
	_ =	sdelay $0x3  }
0x6a: {  	v7 =	vadd.s32 s19, v3  }
0x6b: {  	[tilespmem:v4+s13+$0x0] =	vst.idx.msk $0xffff, v6;
	v4 =	vand.u32 $0x7FF8, v7  }
0x6c: {  	v6 =	vld [tilespmem:s16+$0x30];
	v4 =	vor.u32 v5, v4;
	_ =	sdelay $0x4  }
0x6d: {  	s19 =	sadd.s32 $0x3, s17;
	s17 =	smov.u32 s18;
	[tilespmem:v4+s13+$0x0] =	vst.idx.msk $0xffff, v6  }
0x6e: {  	v5 =	vadd.s32 s19, v0;
	v4 =	vld [tilespmem:s16+$0x40];
	_ =	sdelay $0x4  }
0x6f: {  	[tilespmem:v5+s13+$0x0] =	vst.idx.msk $0xffff, v4  }
0x70: {  	v5 =	vadd.s32 s19, v1;
	v4 =	vld [tilespmem:s16+$0x50];
	_ =	sdelay $0x4  }
0x71: {  	[tilespmem:v5+s13+$0x0] =	vst.idx.msk $0xffff, v4  }
0x72: {  	v5 =	vadd.s32 s19, v2;
	v4 =	vld [tilespmem:s16+$0x60];
	_ =	sdelay $0x4  }
0x73: {  	[tilespmem:v5+s13+$0x0] =	vst.idx.msk $0xffff, v4  }
.Ltmp0:
0x74: {  	v5 =	vadd.s32 s19, v3;
	v4 =	vld [tilespmem:s16+$0x70];
	(pc) =	sbr.rel @p0 .LBB2_3-.Ltmp0, $2  }
0x75: {  	_ =	sdelay $0x2  }
0x76: {  	s18 =	sadd.s32 $0x4, s18;
	v7 =	vadd.s32 s17, v0;
	v6 =	vmov s17  }
0x77: {  	_ =	sdelay $0x3  }
0x78: {  	v7 =	vand.u32 $0x1FF8, v7;
	v6 =	vand.u32 $0x4, v6;
	[tilespmem:v5+s13+$0x0] =	vst.idx.msk $0xffff, v4;
	s16 =	sadd.s32 $0x100, s16  }
0x79: {  	v4 =	vld [tilespmem:s16+$0xFFFFFF80];
	v5 =	vor.u32 v6, v7;
	_ =	sdelay $0x3  }
0x7a: {  	v51 =	vadd.s32 s17, v1  }
0x7b: {  	[tilespmem:v5+s13+$0x0] =	vst.idx.msk $0xffff, v4;
	v4 =	vand.u32 $0x3FF8, v51  }
0x7c: {  	v5 =	vld [tilespmem:s16+$0xFFFFFF90];
	v4 =	vor.u32 v6, v4;
	_ =	sdelay $0x3  }
0x7d: {  	v52 =	vadd.s32 s17, v2  }
0x7e: {  	[tilespmem:v4+s13+$0x0] =	vst.idx.msk $0xffff, v5;
	v4 =	vand.u32 $0x7FF8, v52  }
0x7f: {  	v5 =	vld [tilespmem:s16+$0xFFFFFFA0];
	v4 =	vor.u32 v6, v4;
	_ =	sdelay $0x3  }
0x80: {  	v53 =	vadd.s32 s17, v3  }
0x81: {  	[tilespmem:v4+s13+$0x0] =	vst.idx.msk $0xffff, v5;
	v4 =	vand.u32 $0x7FF8, v53  }
0x82: {  	v5 =	vld [tilespmem:s16+$0xFFFFFFB0];
	v4 =	vor.u32 v6, v4;
	_ =	sdelay $0x2  }
0x83: {  	s18 =	sadd.s32 $0x1, s17  }
0x84: {  	v54 =	vmov s18;
	v55 =	vadd.s32 s18, v0  }
0x85: {  	[tilespmem:v4+s13+$0x0] =	vst.idx.msk $0xffff, v5;
	v4 =	vand.u32 $0x1FF8, v55;
	v5 =	vand.u32 $0x5, v54  }
0x86: {  	v56 =	vld [tilespmem:s16+$0xFFFFFFC0];
	v4 =	vor.u32 v5, v4;
	_ =	sdelay $0x3  }
0x87: {  	v57 =	vadd.s32 s18, v1  }
0x88: {  	[tilespmem:v4+s13+$0x0] =	vst.idx.msk $0xffff, v56;
	v4 =	vand.u32 $0x3FF8, v57  }
0x89: {  	v6 =	vld [tilespmem:s16+$0xFFFFFFD0];
	v4 =	vor.u32 v5, v4;
	_ =	sdelay $0x3  }
0x8a: {  	v58 =	vadd.s32 s18, v2  }
0x8b: {  	[tilespmem:v4+s13+$0x0] =	vst.idx.msk $0xffff, v6;
	v4 =	vand.u32 $0x7FF8, v58  }
0x8c: {  	v6 =	vld [tilespmem:s16+$0xFFFFFFE0];
	v4 =	vor.u32 v5, v4;
	_ =	sdelay $0x3  }
0x8d: {  	v59 =	vadd.s32 s18, v3  }
0x8e: {  	[tilespmem:v4+s13+$0x0] =	vst.idx.msk $0xffff, v6;
	v4 =	vand.u32 $0x7FF8, v59  }
0x8f: {  	v6 =	vld [tilespmem:s16+$0xFFFFFFF0];
	v4 =	vor.u32 v5, v4;
	_ =	sdelay $0x2  }
0x90: {  	s29 =	sadd.s32 $0x2, s17  }
0x91: {  	v60 =	vadd.s32 s29, v0;
	v5 =	vmov s29  }
0x92: {  	v5 =	vand.u32 $0x6, v5;
	[tilespmem:v4+s13+$0x0] =	vst.idx.msk $0xffff, v6;
	v4 =	vand.u32 $0x1FF8, v60  }
0x93: {  	v6 =	vld [tilespmem:s16+$0x0];
	v4 =	vor.u32 v5, v4;
	_ =	sdelay $0x3  }
0x94: {  	v61 =	vadd.s32 s29, v1  }
0x95: {  	[tilespmem:v4+s13+$0x0] =	vst.idx.msk $0xffff, v6;
	v4 =	vand.u32 $0x3FF8, v61  }
0x96: {  	v6 =	vld [tilespmem:s16+$0x10];
	v4 =	vor.u32 v5, v4;
	_ =	sdelay $0x3  }
0x97: {  	v62 =	vadd.s32 s29, v2  }
0x98: {  	[tilespmem:v4+s13+$0x0] =	vst.idx.msk $0xffff, v6;
	v4 =	vand.u32 $0x7FF8, v62  }
0x99: {  	v6 =	vld [tilespmem:s16+$0x20];
	v4 =	vor.u32 v5, v4;
	_ =	sdelay $0x3  }
0x9a: {  	v63 =	vadd.s32 s29, v3  }
0x9b: {  	[tilespmem:v4+s13+$0x0] =	vst.idx.msk $0xffff, v6;
	v4 =	vand.u32 $0x7FF8, v63  }
0x9c: {  	v6 =	vld [tilespmem:s16+$0x30];
	v4 =	vor.u32 v5, v4;
	_ =	sdelay $0x4  }
0x9d: {  	s30 =	sadd.s32 $0x3, s17;
	[tilespmem:v4+s13+$0x0] =	vst.idx.msk $0xffff, v6  }
0x9e: {  	v5 =	vadd.s32 s30, v0;
	v4 =	vld [tilespmem:s16+$0x40];
	_ =	sdelay $0x4  }
0x9f: {  	[tilespmem:v5+s13+$0x0] =	vst.idx.msk $0xffff, v4  }
0xa0: {  	v5 =	vadd.s32 s30, v1;
	v4 =	vld [tilespmem:s16+$0x50];
	_ =	sdelay $0x4  }
0xa1: {  	[tilespmem:v5+s13+$0x0] =	vst.idx.msk $0xffff, v4  }
0xa2: {  	v5 =	vadd.s32 s30, v2;
	v4 =	vld [tilespmem:s16+$0x60];
	_ =	sdelay $0x4  }
0xa3: {  	[tilespmem:v5+s13+$0x0] =	vst.idx.msk $0xffff, v4  }
0xa4: {  	v5 =	vadd.s32 s30, v3;
	v4 =	vld [tilespmem:s16+$0x70];
	_ =	sdelay $0x1  }
0xa5: {  	s31 =	sadd.s32 s5, s15  }
0xa6: {  	s15 =	sadd.s32 $0x1, s15;
	s16 =	smul.u32 $0x640, s31  }
0xa7: {  	p0 =	sne.s32 s15, $0x80  }
.Ltmp1:
0xa8: {  	s16 =	sadd.s32 s2, s16;
	[tilespmem:v5+s13+$0x0] =	vst.idx.msk $0xffff, v4;
	(pc) =	sbr.rel @p0 .LBB2_2-.Ltmp1, $4  }
0xa9: {  	[hbm4b:s16+s3] =	stream.linear.scatter [tilespmem:s13], [sflag:$0x2], $0x3200, $0x38;
	[tilespmem:$0xCC00] =	vst v63  }
0xaa: {  	_ =	swait.ge [sflag:s8], $0x3200  }
0xab: {  	[sflag:s8] =	ssyncset.done $0x0  }
0xac: {  	[sflag:s8] =	ssyncadd.s32 $0xFFFFCE00  }
0xad: {  	s14 =	sadd.s32 $0x1, s14  }
0xae: {  	p0 =	sne.s32 s14, s7  }
.Ltmp2:
0xaf: {  	_ = 	snop;
	(pc) =	sbr.rel @p0 .LBB2_1-.Ltmp2, $1  }
0xb0: {  	_ =	sdelay $0x3  }
0xb1: {  	_ =	sfence.sel $0x180000  }
0xb2: {  	[bflag:$0x0] =	sbarrier.arrive $0xFFFF  }
0xb3: {  	p0 =	sne.s32 s0, $0x0;
	_ =	strace $0x90000047  }
0xb4: {  	s0 =	sadd.s32 @!p0 $0x100000, s1;
	[bflag:$0x2] =	sbarrier.arrive $0xFFFF  }
0xb5: {  	[sflag:s0] =	ssyncadd.tile.s32 @!p0 $0x1;
	_ =	shalt  }
.Lfunc_end2:
_tile_overlayer_lowered:
.L_overlay_start_2:
0xb6: {  	(tag) =	ssettag $0x2  }
0xb7: {  	s0 =	rddreg [dreg:$0x0];
	s2 =	stileid.u32  }
0xb8: {  	s1 =	rddreg [dreg:$0x1];
	p0 =	sne.s32 s2, $0x0  }
0xb9: {  	s3 =	rddreg [dreg:$0x2];
	[bflag:$0x3] =	sbarrier.arrive $0xFFFF;
	s2 =	simm.s32 @!p0 $0x1C02  }
0xba: {  	[timem:s3], [sflag:s2] =	dma.local @!p0 [hbm:s0], s1  }
0xbb: {  	s0 =	simm.s32 @!p0 $0x2  }
0xbc: {  	_ =	swait.ge @!p0 [sflag:s0], s1  }
0xbd: {  	s1 =	ssub.s32 @!p0 $0x0, s1;
	[sflag:s0] =	ssyncset.done @!p0 $0x0  }
0xbe: {  	[sflag:s0] =	ssyncadd.s32 @!p0 s1  }
0xbf: {  	[bflag:$0x3] =	sbarrier.arrive $0xFFFF  }
0xc0: {  	_ =	shalt  }

// kernel: sparse-core-data-format-call.cloned.1.call-start
scs
called_computation_lowered:
.L_overlay_start_0:
0x0: {  	s2 =	sld [smem:$0x3FD9]  }
0x1: {  	s3 =	sld [smem:$0x3FFE];
	_ =	sdelay $0x1  }
0x2: {  	s1 =	srdreg.scid  }
0x3: {  	s0 =	sand.u32 $0x1, s1  }
0x4: {  	s18 =	sshll.u32 s0, $0xA;
	s2 =	sadd.s32 s3, s2  }
0x5: {  	s2 =	sadd.s32 s2, s18  }
0x6: {  	[smem:$0x3FC6] =	sst s2  }
0x7: {  	_ = 	snop  }
0x8: {  	s2 =	sld [smem:$0x3FD0];
	(tm) =	ssettm $0x1  }
0x9: {  	s19 =	sld [smem:$0x3FFB];
	_ =	sdelay $0x3  }
0xa: {  	_ =	strace s19  }
0xb: {  	s3 =	sld [smem:$0x3FFC];
	_ =	sdelay $0x3  }
0xc: {  	_ =	strace s3  }
0xd: {  	s3 =	sld [smem:$0x3FFD];
	_ =	sdelay $0x3  }
0xe: {  	_ =	strace s3  }
0xf: {  	_ =	strace $0x8FFFFFFF  }
0x10: {  	s20 =	sld [smem:$0x3FDB];
	_ =	sdelay $0x1  }
0x11: {  	s4 =	simm.s32 $_scs_section_size  }
0x12: {  	s5 =	simm.s32 $_size__tile_overlayer_lowered;
	s6 =	simm.s32 $_tile_overlayer_lowered  }
0x13: {  	s23 =	simm.s32 $0x1BFF;
	s22 =	sshll.u32 s6, $0x1;
	s3 =	sadd.s32 s4, s20  }
0x14: {  	s7 =	simm.s32 $0x0;
	s21 =	sshll.u32 s5, $0x1;
	s5 =	sadd.s32 s22, s3  }
0x15: {  	[timem:s7], [sflag:s23] =	dma.local [hbm:s5], s21  }
0x16: {  	_ =	swait.ge [sflag:s23], s21  }
0x17: {  	s4 =	ssub.s32 $0x0, s21;
	[sflag:s23] =	ssyncset.done $0x0  }
0x18: {  	[sflag:s23] =	ssyncadd.s32 s4;
	_ =	sdelay $0x1  }
0x19: {  	s24 =	simm.s32 $0x1B8B  }
0x1a: {  	_ =	swait.ge [sflag:s24], $0x1  }
0x1b: {  	[sflag:s24] =	ssyncset.done $0x0  }
0x1c: {  	s26 =	simm.s32 $0x1B8E;
	s25 =	sld [smem:$0x3FFE];
	[sflag:s24] =	ssyncadd.s32 $0xFFFFFFFF  }
0x1d: {  	s27 =	simm.s32 $execute0_lowered;
	[smem:$0x3FD2] =	sst s26  }
0x1e: {  	s5 =	sshll.u32 s27, $0x1;
	_ =	strace $0x80000049;
	[dreg:$0x1] =	wrdreg $0xFFFFFFFF  }
0x1f: {  	s28 =	simm.s32 $_size_execute0_lowered;
	s3 =	sadd.s32 s3, s5;
	[dreg:$0x0] =	wrdreg $0x0  }
0x20: {  	s5 =	sshll.u32 s28, $0x1;
	[dreg:$0x2] =	wrdreg s3  }
0x21: {  	[dreg:$0x3] =	wrdreg s5  }
0x22: {  	[dreg:$0x4] =	wrdreg $0xC0  }
0x23: {  	_ =	task [dreg:s7], $0x5FFFF  }
0x24: {  	[dreg:$0x1] =	wrdreg $0xFFFFFFFF  }
0x25: {  	[dreg:$0x0] =	wrdreg $0x60  }
0x26: {  	[dreg:$0x2] =	wrdreg s25  }
0x27: {  	[dreg:$0x3] =	wrdreg s2  }
0x28: {  	[dreg:$0x4] =	wrdreg $0x9  }
0x29: {  	_ =	task.clear_ibuf [dreg:s7], $0x5FFFF;
	_ =	strace $0x90000049  }
0x2a: {  	s29 =	simm.s32 $0x9;
	_ =	strace $0x8000004B  }
0x2b: {  	_ =	swait.ge [sflag:s29], $0x1  }
0x2c: {  	[sflag:s29] =	ssyncadd.s32 $0xFFFFFFFF  }
0x2d: {  	_ =	strace $0x9000004B  }
0x2e: {  	_ =	sfence  }
0x2f: {  	s30 =	sld [smem:$0x0];
	_ =	sdelay $0x2  }
0x30: {  	s31 =	sshll.u32 s1, $0xD;
	s1 =	sshrl.u32 s1, $0x2  }
0x31: {  	s3 =	sand.u32 $0x4000, s31;
	s1 =	sadd.s32 s1, s30  }
0x32: {  	s0 =	sor.u32 s3, s0;
	s1 =	sshll.u32 s1, $0x11  }
0x33: {  	s0 =	sor.u32 s1, s0  }
0x34: {  	s0 =	sadd.s32 $0x8F2B, s0  }
0x35: {  	[sflag:s0] =	ssyncadd.remote.s32 $0x1  }
0x36: {  	_ =	sfence.sel $0xFFFF  }
0x37: {  	[dreg:$0x0] =	wrdreg $0xFFFFFFFF;
	(pc) =	sbr.abs _section_cstart, $3  }
0x38: {  	[dreg:$0x1] =	wrdreg $0xFFFFFFFF  }
0x39: {  	_ =	task.clear_ibuf [dreg:s7], $0x2FFFF;
	_ =	strace $0x9FFFFFFF  }
0x3a: {  	(tm) =	ssettm $0x7FFFFFFF  }
0x3b: {  	_ =	shalt  }
tec
execute0_lowered:
.L_overlay_start_1:
0x0: {  	(tag) =	ssettag $0x1  }
0x1: {  	s0 =	srdreg.scid  }
0x2: {  	s1 =	sshll.u32 s0, $0x4  }
0x3: {  	s0 =	stileid.u32;
	s1 =	sand.u32 $0x10, s1  }
0x4: {  	s1 =	sor.u32 s0, s1  }
0x5: {  	s6 =	rddreg [dreg:$0x0];
	s4 =	simm.s32 $0x1;
	s2 =	sshll.u32 s1, $0x7  }
0x6: {  	s7 =	simm.s32 $0x2;
	s13 =	simm.s32 $0x0;
	s1 =	ssub.s32 $0x1000, s2  }
0x7: {  	s8 =	simm.s32 $0x8000;
	s12 =	simm.s32 $0x0;
	s3 =	sand.u32 $0xF80, s1  }
0x8: {  	s9 =	simm.s32 $0x0;
	s5 =	sshrl.u32 s1, $0xC;
	p0 =	sne.s32 s3, $0x0  }
.Ltmp0:
0x9: {  	s1 =	rddreg [dreg:$0x2];
	s4 =	simm.s32 @!p0 $0x0;
	(pc) =	sbr.rel .LBB1_1-.Ltmp0, $4  }
0xa: {  	s11 =	simm.s32 $0x0;
	s3 =	rddreg [dreg:$0x1];
	s5 =	sadd.s32 s4, s5  }
0xb: {  	_ =	strace $0x8000004A;
	s4 =	simm.s32 $0x1;
	s5 =	smul.u32 $0x64, s5  }
0xc: {  	s6 =	sadd.s32 $0xA00, s6;
	s10 =	smov.u32 s2;
	[sflag:s4] =	ssyncpa.u1 $0x0  }
0xd: {  	p0 =	por $0x0, $0x0;
	[sflag:s7] =	ssyncpa.u1 $0x0;
	s7 =	sor.u32 $0x1, s5  }
.LBB1_4:
0xe: {  	v5 =	vld [tilespmem:s17+$0xFFFFFFD0];
	[tilespmem:s16+$0x2040 ss:$0x81] =	vst.msk $0xffff, v4;
	s19 =	sshll.u32 s13, $0xC;
	s20 =	sshll.u32 s12, $0x3  }
0xf: {  	v58 =	vld [tilespmem:s17+$0xFFFFFFE0];
	[tilespmem:s16+$0x2850 ss:$0x81] =	vst.msk $0xffff, v3;
	s19 =	sand.u32 $0xFFFF8000, s19;
	s21 =	sand.u32 $0xFFFFFC00, s20  }
0x10: {  	s18 =	sshra.s32 s18, $0x2;
	v59 =	vld [tilespmem:s17+$0xFFFFFFF0];
	[tilespmem:s16+$0x3060 ss:$0x81] =	vst.msk $0xffff, v2;
	s19 =	sadd.s32 s21, s19  }
0x11: {  	v60 =	vld [tilespmem:s17+$0x0];
	[tilespmem:s16+$0x0 ss:$0x81] =	vst.msk $0xffff, v0;
	s15 =	sadd.s32 s18, s15;
	s26 =	sshrl.u32 s19, $0xC  }
0x12: {  	v61 =	vld [tilespmem:s17+$0x10];
	[tilespmem:s15+$0x3870 ss:$0x81] =	vst.msk $0xffff, v1;
	s27 =	smulhi.u32 $0xA3D71, s26  }
0x13: {  	v62 =	vld [tilespmem:s17+$0x20];
	s28 =	sand.u32 $0x78, s12;
	[tilespmem:s15+$0x810 ss:$0x81] =	vst.msk $0xffff, v5  }
0x14: {  	v63 =	vld [tilespmem:s17+$0xFFFFFFC0];
	s29 =	sshll.u32 s13, $0x7;
	s30 =	sand.u32 $0xC00, s20;
	[tilespmem:s15+$0x1020 ss:$0x81] =	vst.msk $0xffff, v58;
	s18 =	sshrl.u32 s27, $0x1  }
0x15: {  	s13 =	sand.u32 $0x380, s29;
	s17 =	sor.u32 s28, s30;
	[tilespmem:s15+$0x1830 ss:$0x81] =	vst.msk $0xffff, v59;
	s18 =	smul.u32 $0x3200, s18  }
0x16: {  	s13 =	sor.u32 s13, s17;
	[tilespmem:s15+$0x2040 ss:$0x81] =	vst.msk $0xffff, v60  }
0x17: {  	s31 =	sand.u32 $0x7, s12;
	s13 =	sshrl.u32 s13, $0x3;
	[tilespmem:s15+$0x2850 ss:$0x81] =	vst.msk $0xffff, v61;
	s16 =	ssub.s32 s26, s18  }
0x18: {  	s12 =	sshll.u32 s31, $0x12;
	[tilespmem:s15+$0x3060 ss:$0x81] =	vst.msk $0xffff, v62;
	s13 =	sadd.s32 s3, s13;
	s16 =	sshll.u32 s16, $0x9  }
0x19: {  	s12 =	sor.u32 $0x400, s12;
	[tilespmem:s15+$0x0 ss:$0x81] =	vst.msk $0xffff, v63;
	s13 =	sadd.s32 s16, s13  }
0x1a: {  	[hbm4b:s13+s12] =	stream.strided.scatter [tilespmem:s14], [sflag:$0x2], $0x4000, s8, s12, $0x20;
	[tilespmem:$0x10100] =	vst v63  }
.LBB1_5:
0x1b: {  	s14 =	sadd.s32 $0x80, s9  }
0x1c: {  	s12 =	sadd.s32 $0x1000, s10;
	s16 =	smov.u32 s10;
	p2 =	sgt.s32 s14, $0x31FF  }
0x1d: {  	s16 =	smov.u32 @p2 s12  }
0x1e: {  	s14 =	simm.s32 @p2 $0x0;
	p2 =	sgt.s32 s16, $0xFFF  }
0x1f: {  	s16 =	smov.u32 @p2 s2;
	p2 =	sne.s32 s11, s7  }
.Ltmp1:
0x20: {  	p1 =	slt.u32 s11, $0x2;
	(pc) =	sbr.rel @!p2 .LBB1_6-.Ltmp1, $4  }
0x21: {  	s15 =	simm.s32 @!p1 $0x2  }
0x22: {  	s13 =	smov.u32 s9;
	p0 =	por !p0, !p0;
	_ =	swait.ge @!p1 [sflag:s15], $0x4000  }
0x23: {  	s12 =	smov.u32 s10;
	[sflag:s15] =	ssyncset.done @!p1 $0x0;
	s9 =	smov.u32 s14  }
0x24: {  	s11 =	sadd.s32 $0x1, s11;
	[sflag:s15] =	ssyncadd.s32 @!p1 $0xFFFFC000;
	s10 =	smov.u32 s16  }
.LBB1_1:
0x25: {  	p1 =	sge.u32 s11, s5  }
0x26: {  	s14 =	sshrl.u32 @!p1 s10, $0x3  }
0x27: {  	s15 =	sshll.u32 @!p1 s9, $0x3;
	s14 =	smul.u32 @!p1 $0x19000, s14  }
0x28: {  	s16 =	sshll.u32 @!p1 s10, $0x7;
	s15 =	sand.u32 @!p1 $0xFFFFFC00, s15  }
0x29: {  	s14 =	sadd.s32 @!p1 s14, s15;
	s15 =	sand.u32 @!p1 $0x380, s16  }
0x2a: {  	s16 =	sand.u32 @!p1 $0x7F, s9;
	s14 =	sor.u32 @!p1 s15, s14  }
0x2b: {  	s15 =	sor.u32 @!p1 s16, s14  }
0x2c: {  	s16 =	smulhi.u32 @!p1 $0x51EB851F, s15;
	_ =	sdelay $0x1  }
0x2d: {  	s14 =	smulhi.u32 @!p1 $0x51EB851F, s14;
	s16 =	sshrl.u32 @!p1 s16, $0xC  }
0x2e: {  	s16 =	smul.u32 @!p1 $0x3200, s16  }
0x2f: {  	s31 =	sadd.s32 $0xFFFFFFFF, s11;
	s17 =	sxor.u32 @!p1 $0xFFFFFFFF, s11;
	s14 =	sshrl.u32 @!p1 s14, $0xC  }
0x30: {  	s17 =	sshll.u32 @!p1 s17, $0xE;
	s14 =	sand.u32 @!p1 $0xFFF, s14;
	s15 =	ssub.s32 @!p1 s15, s16  }
0x31: {  	s14 =	smul.u32 @!p1 $0x640, s14;
	s16 =	sshrl.u32 @!p1 s15, $0x3;
	s15 =	sand.u32 @!p1 $0x7, s15  }
0x32: {  	s17 =	sand.u32 @!p1 $0x4000, s17;
	s16 =	sadd.s32 @!p1 s6, s16;
	s15 =	sshll.u32 @!p1 s15, $0x12  }
0x33: {  	s14 =	sadd.s32 @!p1 s14, s16;
	s15 =	sor.u32 @!p1 $0x400, s15;
	s16 =	simm.s32 @!p1 $0x19000  }
0x34: {  	[tilespmem:s17], [sflag:$0x1] =	stream.strided.gather @!p1 [hbm4b:s14+s15], $0x4000, s16, s15, $0x38;
	[tilespmem:$0x10100] =	vst v63  }
0x35: {  	p1 =	sge.u32 s31, s5  }
.Ltmp2:
0x36: {  	_ = 	snop;
	(pc) =	sbr.rel @p1 .LBB1_5-.Ltmp2, $1  }
0x37: {  	_ =	sdelay $0x3  }
0x38: {  	s14 =	simm.s32 $0x1  }
0x39: {  	_ =	swait.ge [sflag:s4], $0x4000;
	s14 =	simm.s32 @!p0 $0x0  }
0x3a: {  	[sflag:s4] =	ssyncset.done $0x0;
	s15 =	sshll.u32 s14, $0xE  }
0x3b: {  	[sflag:s4] =	ssyncadd.s32 $0xFFFFC000;
	s17 =	sor.u32 $0x40, s15  }
0x3c: {  	s14 =	smul.u32 $0x10200, s14;
	v0 =	vld [tilespmem:s17+$0x30]  }
0x3d: {  	v1 =	vld [tilespmem:s17+$0xFFFFFFD0]  }
0x3e: {  	s14 =	sshrl.u32 s14, $0x2;
	v5 =	vld [tilespmem:s17+$0xFFFFFFE0]  }
0x3f: {  	v6 =	vld [tilespmem:s17+$0xFFFFFFF0];
	s15 =	sor.u32 $0x8000, s14  }
0x40: {  	s31 =	sand.u32 $0x1, s11;
	v4 =	vld [tilespmem:s17+$0x0];
	s16 =	sadd.s32 $0x0, s15  }
0x41: {  	v3 =	vld [tilespmem:s17+$0x10];
	s14 =	smul.u32 $0x10200, s31;
	[tilespmem:s16+$0x3870 ss:$0x81] =	vst.msk $0xffff, v0  }
0x42: {  	v2 =	vld [tilespmem:s17+$0x20];
	[tilespmem:s16+$0x810 ss:$0x81] =	vst.msk $0xffff, v1  }
0x43: {  	s14 =	sshrl.u32 s14, $0x2;
	v0 =	vld [tilespmem:s17+$0xFFFFFFC0];
	[tilespmem:s16+$0x1020 ss:$0x81] =	vst.msk $0xffff, v5;
	s17 =	sadd.s32 $0x80, s17  }
0x44: {  	s18 =	simm.s32 $0x4;
	s19 =	simm.s32 $0x8;
	s14 =	sor.u32 $0x8000, s14;
	[tilespmem:s16+$0x1830 ss:$0x81] =	vst.msk $0xffff, v6;
	v1 =	vld [tilespmem:s17+$0x30]  }
.LBB1_3:
0x45: {  	p1 =	sne.s32 s19, $0x1FC;
	v5 =	vld [tilespmem:s17+$0xFFFFFFD0];
	[tilespmem:s16+$0x2040 ss:$0x81] =	vst.msk $0xffff, v4  }
0x46: {  	v6 =	vld [tilespmem:s17+$0xFFFFFFE0];
	[tilespmem:s16+$0x2850 ss:$0x81] =	vst.msk $0xffff, v3  }
0x47: {  	s20 =	sshra.s32 s18, $0x2;
	s18 =	smov.u32 s19;
	v7 =	vld [tilespmem:s17+$0xFFFFFFF0];
	[tilespmem:s16+$0x3060 ss:$0x81] =	vst.msk $0xffff, v2  }
.Ltmp3:
0x48: {  	v4 =	vld [tilespmem:s17+$0x0];
	[tilespmem:s16+$0x0 ss:$0x81] =	vst.msk $0xffff, v0;
	s16 =	sadd.s32 s20, s15;
	(pc) =	sbr.rel @p1 .LBB1_3-.Ltmp3, $4  }
0x49: {  	v3 =	vld [tilespmem:s17+$0x10];
	[tilespmem:s16+$0x3870 ss:$0x81] =	vst.msk $0xffff, v1  }
0x4a: {  	[tilespmem:s16+$0x810 ss:$0x81] =	vst.msk $0xffff, v5;
	v2 =	vld [tilespmem:s17+$0x20]  }
0x4b: {  	v0 =	vld [tilespmem:s17+$0xFFFFFFC0];
	[tilespmem:s16+$0x1020 ss:$0x81] =	vst.msk $0xffff, v6;
	s17 =	sadd.s32 $0x80, s17  }
0x4c: {  	s19 =	sadd.s32 $0x4, s19;
	v1 =	vld [tilespmem:s17+$0x30];
	[tilespmem:s16+$0x1830 ss:$0x81] =	vst.msk $0xffff, v7  }
.Ltmp4:
0x4d: {  	_ = 	snop;
	(pc) =	sbr.rel .LBB1_4-.Ltmp4, $1  }
0x4e: {  	_ =	sdelay $0x3  }
.LBB1_6:
0x4f: {  	_ =	sfence.sel $0x180000  }
0x50: {  	s2 =	simm.s32 $0x1;
	[bflag:$0x0] =	sbarrier.arrive $0xFFFF  }
0x51: {  	s31 =	simm.s32 $0x2;
	[sflag:s2] =	ssyncpa.u1 $0x1  }
0x52: {  	[sflag:s31] =	ssyncpa.u1 $0x1  }
0x53: {  	p0 =	sne.s32 s0, $0x0;
	_ =	strace $0x9000004A  }
0x54: {  	s0 =	sadd.s32 @!p0 $0x100000, s1;
	[bflag:$0x2] =	sbarrier.arrive $0xFFFF  }
0x55: {  	[sflag:s0] =	ssyncadd.tile.s32 @!p0 $0x1;
	_ =	shalt  }
.Lfunc_end1:
_tile_overlayer_lowered:
.L_overlay_start_2:
0x56: {  	(tag) =	ssettag $0x2  }
0x57: {  	s0 =	rddreg [dreg:$0x0];
	s2 =	stileid.u32  }
0x58: {  	s1 =	rddreg [dreg:$0x1];
	p0 =	sne.s32 s2, $0x0  }
0x59: {  	s3 =	rddreg [dreg:$0x2];
	[bflag:$0x3] =	sbarrier.arrive $0xFFFF;
	s2 =	simm.s32 @!p0 $0x1C01  }
0x5a: {  	[timem:s3], [sflag:s2] =	dma.local @!p0 [hbm:s0], s1  }
0x5b: {  	s0 =	simm.s32 @!p0 $0x1  }
0x5c: {  	_ =	swait.ge @!p0 [sflag:s0], s1  }
0x5d: {  	s1 =	ssub.s32 @!p0 $0x0, s1;
	[sflag:s0] =	ssyncset.done @!p0 $0x0  }
0x5e: {  	[sflag:s0] =	ssyncadd.s32 @!p0 s1  }
0x5f: {  	[bflag:$0x3] =	sbarrier.arrive $0xFFFF  }
0x60: {  	_ =	shalt  }

</sc_bundles>
